<compile_context>
chip_gen: v7x
topology: tpu7x:2x2x1
jax: 0.10.2.dev20260603
libtpu: 0.0.44.dev20260713+nightly
codegen_flags: <defaults>
</compile_context>

<pallas_src>
import jax
import jax.numpy as jnp
from jax import lax
from jax.experimental import pallas as pl
from jax.experimental.pallas import tpu as pltpu
from jax.experimental.pallas import tpu_sc as plsc

_VOCAB = 128
_HID = 64
_BLK = 6400
_TB = 64
_NC = 2
_NS = 16
_NW = _NC * _NS


def _gate_table_body(table_ref, w_ref, b_ref, sig_ref):
    t = table_ref[...]
    w = w_ref[...]
    logits = jnp.sum(t * w, axis=1) + b_ref[0, 0]
    sig_ref[...] = jax.nn.sigmoid(logits)[None, :]


def _h_expand_body(seq_ref, table_ref, h_ref):
    idx = seq_ref[...]
    oh = (idx[:, :, None] == lax.broadcasted_iota(
        jnp.int32, idx.shape + (_VOCAB,), 2)).astype(jnp.float32)
    h_ref[...] = lax.dot_general(
        oh, table_ref[...], (((2,), (0,)), ((), ())),
        preferred_element_type=jnp.float32)


def _sc_soft_body(seq_hbm, sig_hbm, soft_hbm,
                  idx_v, soft_v, sig_v,
                  sem_i0, sem_i1, sem_ws0, sem_ws1):
    wid = lax.axis_index("s") * _NC + lax.axis_index("c")
    n_idx = seq_hbm.shape[0]
    per_w = n_idx // _NW
    n_blk = per_w // _BLK
    base0 = wid * per_w

    sem_i = (sem_i0, sem_i1)
    sem_ws = (sem_ws0, sem_ws1)

    pltpu.sync_copy(sig_hbm, sig_v)
    for q in (0, 1):
        pltpu.async_copy(seq_hbm.at[pl.ds(base0 + q * _BLK, _BLK)],
                         idx_v.at[q], sem_i[q])

    def pair_body(j, carry):
        for q in (0, 1):
            b = 2 * j + q
            pltpu.make_async_copy(seq_hbm.at[pl.ds(0, _BLK)],
                                  idx_v.at[q], sem_i[q]).wait()

            @pl.when(j > 0)
            def _():
                pltpu.make_async_copy(
                    soft_v.at[q], soft_hbm.at[pl.ds(0, _BLK)],
                    sem_ws[q]).wait()

            @plsc.parallel_loop(0, _BLK // 16, unroll=4)
            def _(t):
                iv = idx_v[q, pl.ds(t * 16, 16)]
                soft_v[q, pl.ds(t * 16, 16)] = plsc.load_gather(sig_v, [iv])

            nxt = jnp.minimum(base0 + (b + 2) * _BLK, base0 + per_w - _BLK)
            pltpu.async_copy(seq_hbm.at[pl.ds(nxt, _BLK)],
                             idx_v.at[q], sem_i[q])
            pltpu.async_copy(soft_v.at[q],
                             soft_hbm.at[pl.ds(base0 + b * _BLK, _BLK)],
                             sem_ws[q])
        return carry

    lax.fori_loop(0, n_blk // 2, pair_body, 0)

    for q in (0, 1):
        pltpu.make_async_copy(seq_hbm.at[pl.ds(0, _BLK)],
                              idx_v.at[q], sem_i[q]).wait()
        pltpu.make_async_copy(soft_v.at[q], soft_hbm.at[pl.ds(0, _BLK)],
                              sem_ws[q]).wait()


def kernel(seq, embed_table, gate_w, gate_b):
    B, L = seq.shape
    n = B * L
    seq1d = seq.reshape(n).astype(jnp.int32)

    sig = pl.pallas_call(
        _gate_table_body,
        out_shape=jax.ShapeDtypeStruct((1, _VOCAB), jnp.float32),
    )(embed_table, gate_w, gate_b.reshape(1, 1))
    sig1d = sig.reshape(_VOCAB)

    mesh = plsc.VectorSubcoreMesh(core_axis_name="c", subcore_axis_name="s",
                                  num_cores=_NC, num_subcores=_NS)
    soft1d = pl.kernel(
        _sc_soft_body,
        out_type=jax.ShapeDtypeStruct((n,), jnp.float32),
        mesh=mesh,
        scratch_types=[
            pltpu.VMEM((2, _BLK), jnp.int32),
            pltpu.VMEM((2, _BLK), jnp.float32),
            pltpu.VMEM((_VOCAB,), jnp.float32),
        ] + [pltpu.SemaphoreType.DMA] * 4,
        compiler_params=pltpu.CompilerParams(use_tc_tiling_on_sc=False,
                                             needs_layout_passes=False),
    )(seq1d, sig1d)

    h = pl.pallas_call(
        _h_expand_body,
        grid=(B // _TB,),
        in_specs=[
            pl.BlockSpec((_TB, L), lambda i: (i, 0)),
            pl.BlockSpec((_VOCAB, _HID), lambda i: (0, 0)),
        ],
        out_specs=pl.BlockSpec((_TB, L, _HID), lambda i: (i, 0, 0)),
        out_shape=jax.ShapeDtypeStruct((B, L, _HID), jnp.float32),
    )(seq.astype(jnp.int32), embed_table)

    soft = soft1d.reshape(B, L)
    return (soft, h)

# --- scband reference (transcript-rebuilt; emitter-appended) ---
"""Pipeline reference for scband-minimal-write-gate-77068893160301 (READ-ONLY COPY).

The authoritative reference and input builder live on the scoring server;
editing this copy changes nothing except your own understanding.
"""

import jax, jax.numpy as jnp
import numpy as np

VOCAB_SIZE = 128
HIDDEN_DIM = 64


def setup_inputs(seed: int = 0) -> dict:
    key = jax.random.key(seed)
    k1, k2, k3, k4 = jax.random.split(key, 4)
    seq = jax.random.randint(k1, (16384, 200), 0, VOCAB_SIZE, dtype=jnp.int64 if jax.config.jax_enable_x64 else jnp.int32)
    embed_table = jax.random.normal(k2, (VOCAB_SIZE, HIDDEN_DIM), dtype=jnp.float32)
    # nn.Linear(HIDDEN_DIM, 1): weight [1, HIDDEN_DIM], bias [1]
    bound = 1.0 / np.sqrt(HIDDEN_DIM)
    gate_w = jax.random.uniform(k3, (1, HIDDEN_DIM), minval=-bound, maxval=bound, dtype=jnp.float32)
    gate_b = jax.random.uniform(k4, (1,), minval=-bound, maxval=bound, dtype=jnp.float32)
    return {"seq": seq, "embed_table": embed_table, "gate_w": gate_w, "gate_b": gate_b}


def reference(seq, embed_table, gate_w, gate_b):
    # h = self.embed(seq)
    h = jnp.take(embed_table, seq, axis=0)  # [B, L, H]
    # soft = sigmoid(self.gate(h)).squeeze(-1)
    logits = h @ gate_w.T + gate_b  # [B, L, 1]
    soft = jax.nn.sigmoid(logits).squeeze(-1)  # [B, L]
    return (soft, h)

if __name__ == "__main__":
    import jax
    _d = setup_inputs()
    print(jax.jit(kernel)(*tuple(_d.values())))

</pallas_src>

<mosaic_0001>
#map = affine_map<(d0, d1) -> (0)>
module attributes {stable_mosaic.version = 14 : i64} {
  func.func @_sc_soft_body(%arg0: i32, %arg1: i32, %arg2: memref<3276800xi32, #tpu.memory_space<hbm>>, %arg3: memref<128xf32, #tpu.memory_space<hbm>>, %arg4: memref<3276800xf32, #tpu.memory_space<hbm>>, %arg5: memref<2x6400xi32, #tpu.memory_space<vmem>>, %arg6: memref<2x6400xf32, #tpu.memory_space<vmem>>, %arg7: memref<128xf32, #tpu.memory_space<vmem>>, %arg8: memref<!tpu.dma_semaphore, #tpu.memory_space<semaphore_mem>>, %arg9: memref<!tpu.dma_semaphore, #tpu.memory_space<semaphore_mem>>, %arg10: memref<!tpu.dma_semaphore, #tpu.memory_space<semaphore_mem>>, %arg11: memref<!tpu.dma_semaphore, #tpu.memory_space<semaphore_mem>>) attributes {dimension_semantics = [#tpu.dimension_semantics<core_parallel>, #tpu.dimension_semantics<subcore_parallel>], iteration_bounds = array<i64: 2, 16>, scalar_prefetch = 0 : i64, scratch_operands = 7 : i64, tpu.core_type = #tpu.core_type<sc_vector_subcore>, window_params = [{transform_indices = #map}, {transform_indices = #map}, {transform_indices = #map}]} {
    %mul3A = arith.constant 2 : i32
    %mul3A_0 = arith.muli %arg1, %mul3A : i32
    %add3A = arith.addi %mul3A_0, %arg0 : i32
    %mul3A_1 = arith.constant 102400 : i32
    %mul3A_2 = arith.muli %add3A, %mul3A_1 : i32
    "tpu.region"() ({
      %run_scoped3A = tpu.sem_alloc : memref<!tpu.dma_semaphore, #tpu.memory_space<semaphore_mem>>
      tpu.enqueue_dma source(%arg3 : memref<128xf32, #tpu.memory_space<hbm>>) target(%arg7 : memref<128xf32, #tpu.memory_space<vmem>>) target_semaphore(%run_scoped3A : memref<!tpu.dma_semaphore, #tpu.memory_space<semaphore_mem>>)
      tpu.wait_dma2 semaphore(%run_scoped3A : memref<!tpu.dma_semaphore, #tpu.memory_space<semaphore_mem>>) src(%arg3 : memref<128xf32, #tpu.memory_space<hbm>>) dst(%arg7 : memref<128xf32, #tpu.memory_space<vmem>>)
      tpu.yield
    }) : () -> ()
    %add3A_3 = arith.constant 0 : i32
    %add3A_4 = arith.addi %mul3A_2, %add3A_3 : i32
    %dma_start3A = arith.constant 0 : i32
    %dma_start3A_5 = arith.constant 0 : i32
    %dma_start3A_6 = tpu.memref_slice %arg5[%dma_start3A, %dma_start3A_5] : memref<2x6400xi32, #tpu.memory_space<vmem>> -> memref<1x6400xi32, #tpu.memory_space<vmem>>
    %dma_start3A_7 = tpu.memref_squeeze %dma_start3A_6 : memref<1x6400xi32, #tpu.memory_space<vmem>> -> memref<6400xi32, #tpu.memory_space<vmem>>
    %dma_start3A_8 = tpu.memref_slice %arg2[%add3A_4] : memref<3276800xi32, #tpu.memory_space<hbm>> -> memref<6400xi32, #tpu.memory_space<hbm>>
    %dma_start3A_9 = arith.constant 0 : i32
    %dma_start3A_10 = tpu.memref_slice %arg5[%dma_start3A, %dma_start3A_9] : memref<2x6400xi32, #tpu.memory_space<vmem>> -> memref<1x6400xi32, #tpu.memory_space<vmem>>
    %dma_start3A_11 = tpu.memref_squeeze %dma_start3A_10 : memref<1x6400xi32, #tpu.memory_space<vmem>> -> memref<6400xi32, #tpu.memory_space<vmem>>
    %dma_start3A_12 = tpu.memref_slice %arg2[%add3A_4] : memref<3276800xi32, #tpu.memory_space<hbm>> -> memref<6400xi32, #tpu.memory_space<hbm>>
    tpu.enqueue_dma source(%dma_start3A_12 : memref<6400xi32, #tpu.memory_space<hbm>>) target(%dma_start3A_11 : memref<6400xi32, #tpu.memory_space<vmem>>) target_semaphore(%arg8 : memref<!tpu.dma_semaphore, #tpu.memory_space<semaphore_mem>>)
    %add3A_13 = arith.constant 6400 : i32
    %add3A_14 = arith.addi %mul3A_2, %add3A_13 : i32
    %dma_start3A_15 = arith.constant 1 : i32
    %dma_start3A_16 = arith.constant 0 : i32
    %dma_start3A_17 = tpu.memref_slice %arg5[%dma_start3A_15, %dma_start3A_16] : memref<2x6400xi32, #tpu.memory_space<vmem>> -> memref<1x6400xi32, #tpu.memory_space<vmem>>
    %dma_start3A_18 = tpu.memref_squeeze %dma_start3A_17 : memref<1x6400xi32, #tpu.memory_space<vmem>> -> memref<6400xi32, #tpu.memory_space<vmem>>
    %dma_start3A_19 = tpu.memref_slice %arg2[%add3A_14] : memref<3276800xi32, #tpu.memory_space<hbm>> -> memref<6400xi32, #tpu.memory_space<hbm>>
    %dma_start3A_20 = arith.constant 0 : i32
    %dma_start3A_21 = tpu.memref_slice %arg5[%dma_start3A_15, %dma_start3A_20] : memref<2x6400xi32, #tpu.memory_space<vmem>> -> memref<1x6400xi32, #tpu.memory_space<vmem>>
    %dma_start3A_22 = tpu.memref_squeeze %dma_start3A_21 : memref<1x6400xi32, #tpu.memory_space<vmem>> -> memref<6400xi32, #tpu.memory_space<vmem>>
    %dma_start3A_23 = tpu.memref_slice %arg2[%add3A_14] : memref<3276800xi32, #tpu.memory_space<hbm>> -> memref<6400xi32, #tpu.memory_space<hbm>>
    tpu.enqueue_dma source(%dma_start3A_23 : memref<6400xi32, #tpu.memory_space<hbm>>) target(%dma_start3A_22 : memref<6400xi32, #tpu.memory_space<vmem>>) target_semaphore(%arg9 : memref<!tpu.dma_semaphore, #tpu.memory_space<semaphore_mem>>)
    %scan3A = arith.constant 0 : i32
    %scan3A_24 = arith.constant 0 : i32
    %scan3A_25 = arith.constant 8 : i32
    %scan3A_26 = arith.addi %scan3A_24, %scan3A_25 : i32
    %scan3A_27 = arith.constant 1 : i32
    scf.for %scan3A_72 = %scan3A_24 to %scan3A_26 step %scan3A_27  : i32 {
      %mul3A_73 = arith.constant 2 : i32
      %mul3A_74 = arith.muli %mul3A_73, %scan3A_72 : i32
      %add3A_75 = arith.constant 0 : i32
      %add3A_76 = arith.addi %mul3A_74, %add3A_75 : i32
      %dma_wait3A_77 = arith.constant 0 : i32
      %dma_wait3A_78 = arith.constant 0 : i32
      %dma_wait3A_79 = tpu.memref_slice %arg5[%dma_wait3A_77, %dma_wait3A_78] : memref<2x6400xi32, #tpu.memory_space<vmem>> -> memref<1x6400xi32, #tpu.memory_space<vmem>>
      %dma_wait3A_80 = tpu.memref_squeeze %dma_wait3A_79 : memref<1x6400xi32, #tpu.memory_space<vmem>> -> memref<6400xi32, #tpu.memory_space<vmem>>
      %dma_wait3A_81 = arith.constant 0 : i32
      %dma_wait3A_82 = tpu.memref_slice %arg2[%dma_wait3A_81] : memref<3276800xi32, #tpu.memory_space<hbm>> -> memref<6400xi32, #tpu.memory_space<hbm>>
      %dma_wait3A_83 = arith.constant 0 : i32
      %dma_wait3A_84 = tpu.memref_slice %arg5[%dma_wait3A_77, %dma_wait3A_83] : memref<2x6400xi32, #tpu.memory_space<vmem>> -> memref<1x6400xi32, #tpu.memory_space<vmem>>
      %dma_wait3A_85 = tpu.memref_squeeze %dma_wait3A_84 : memref<1x6400xi32, #tpu.memory_space<vmem>> -> memref<6400xi32, #tpu.memory_space<vmem>>
      %dma_wait3A_86 = arith.constant 0 : i32
      %dma_wait3A_87 = tpu.memref_slice %arg2[%dma_wait3A_86] : memref<3276800xi32, #tpu.memory_space<hbm>> -> memref<6400xi32, #tpu.memory_space<hbm>>
      tpu.wait_dma2 semaphore(%arg8 : memref<!tpu.dma_semaphore, #tpu.memory_space<semaphore_mem>>) src(%dma_wait3A_87 : memref<6400xi32, #tpu.memory_space<hbm>>) dst(%dma_wait3A_85 : memref<6400xi32, #tpu.memory_space<vmem>>)
      %gt3A = arith.constant 0 : i32
      %gt3A_88 = arith.cmpi sgt, %scan3A_72, %gt3A : i32
      %convert_element_type3A = arith.extui %gt3A_88 : i1 to i32
      %cond3A = arith.constant 0 : i32
      %cond3A_89 = arith.cmpi ne, %convert_element_type3A, %cond3A : i32
      scf.if %cond3A_89 {
        %dma_wait3A_175 = arith.constant 0 : i32
        %dma_wait3A_176 = arith.constant 0 : i32
        %dma_wait3A_177 = tpu.memref_slice %arg6[%dma_wait3A_175, %dma_wait3A_176] : memref<2x6400xf32, #tpu.memory_space<vmem>> -> memref<1x6400xf32, #tpu.memory_space<vmem>>
        %dma_wait3A_178 = tpu.memref_squeeze %dma_wait3A_177 : memref<1x6400xf32, #tpu.memory_space<vmem>> -> memref<6400xf32, #tpu.memory_space<vmem>>
        %dma_wait3A_179 = arith.constant 0 : i32
        %dma_wait3A_180 = tpu.memref_slice %arg4[%dma_wait3A_179] : memref<3276800xf32, #tpu.memory_space<hbm>> -> memref<6400xf32, #tpu.memory_space<hbm>>
        %dma_wait3A_181 = arith.constant 0 : i32
        %dma_wait3A_182 = tpu.memref_slice %arg4[%dma_wait3A_181] : memref<3276800xf32, #tpu.memory_space<hbm>> -> memref<6400xf32, #tpu.memory_space<hbm>>
        %dma_wait3A_183 = arith.constant 0 : i32
        %dma_wait3A_184 = tpu.memref_slice %arg6[%dma_wait3A_175, %dma_wait3A_183] : memref<2x6400xf32, #tpu.memory_space<vmem>> -> memref<1x6400xf32, #tpu.memory_space<vmem>>
        %dma_wait3A_185 = tpu.memref_squeeze %dma_wait3A_184 : memref<1x6400xf32, #tpu.memory_space<vmem>> -> memref<6400xf32, #tpu.memory_space<vmem>>
        tpu.wait_dma2 semaphore(%arg10 : memref<!tpu.dma_semaphore, #tpu.memory_space<semaphore_mem>>) src(%dma_wait3A_185 : memref<6400xf32, #tpu.memory_space<vmem>>) dst(%dma_wait3A_182 : memref<6400xf32, #tpu.memory_space<hbm>>)
      } else {
      }
      %parallel_loop3A = arith.constant 0 : i32
      %parallel_loop3A_90 = arith.constant 400 : i32
      %parallel_loop3A_91 = arith.constant 1 : i32
      scf.for %parallel_loop3A_175 = %parallel_loop3A to %parallel_loop3A_90 step %parallel_loop3A_91  : i32 {
        %parallel_loop3A_176 = arith.constant 16 : i32
        %parallel_loop3A_177 = arith.muli %parallel_loop3A_175, %parallel_loop3A_176 : i32
        %parallel_loop3A_178 = arith.constant 0 : i32
        %parallel_loop3A_179 = arith.index_cast %parallel_loop3A_178 : i32 to index
        %parallel_loop3A_180 = arith.index_cast %parallel_loop3A_177 : i32 to index
        %parallel_loop3A_181 = tpu.vector_load %arg5[%parallel_loop3A_179, %parallel_loop3A_180] {strides = array<i32>} : memref<2x6400xi32, #tpu.memory_space<vmem>>, vector<16xi32>,
        %parallel_loop3A_182 = tpu.vector_load_idx %arg7[%parallel_loop3A_181] : memref<128xf32, #tpu.memory_space<vmem>>[vector<16xi32>], vector<16xf32>,
        %parallel_loop3A_183 = arith.constant 16 : i32
        %parallel_loop3A_184 = arith.muli %parallel_loop3A_175, %parallel_loop3A_183 : i32
        %parallel_loop3A_185 = arith.constant 0 : i32
        %parallel_loop3A_186 = arith.index_cast %parallel_loop3A_185 : i32 to index
        %parallel_loop3A_187 = arith.index_cast %parallel_loop3A_184 : i32 to index
        %parallel_loop3A_188 = tpu.vector_load %arg6[%parallel_loop3A_186, %parallel_loop3A_187] {strides = array<i32>} : memref<2x6400xf32, #tpu.memory_space<vmem>>, vector<16xf32>,
        tpu.vector_store %arg6[%parallel_loop3A_186, %parallel_loop3A_187], %parallel_loop3A_182 {strides = array<i32>} : memref<2x6400xf32, #tpu.memory_space<vmem>>, vector<16xf32>,
      } {sc.loop_unroll_factor = 4 : i64, sc.parallel_access}
      %add3A_92 = arith.constant 2 : i32
      %add3A_93 = arith.addi %add3A_76, %add3A_92 : i32
      %mul3A_94 = arith.constant 6400 : i32
      %mul3A_95 = arith.muli %add3A_93, %mul3A_94 : i32
      %add3A_96 = arith.addi %mul3A_2, %mul3A_95 : i32
      %add3A_97 = arith.constant 102400 : i32
      %add3A_98 = arith.addi %mul3A_2, %add3A_97 : i32
      %sub3A = arith.constant 6400 : i32
      %sub3A_99 = arith.subi %add3A_98, %sub3A : i32
      %min3A = arith.minsi %add3A_96, %sub3A_99 : i32
      %dma_start3A_100 = arith.constant 0 : i32
      %dma_start3A_101 = arith.constant 0 : i32
      %dma_start3A_102 = tpu.memref_slice %arg5[%dma_start3A_100, %dma_start3A_101] : memref<2x6400xi32, #tpu.memory_space<vmem>> -> memref<1x6400xi32, #tpu.memory_space<vmem>>
      %dma_start3A_103 = tpu.memref_squeeze %dma_start3A_102 : memref<1x6400xi32, #tpu.memory_space<vmem>> -> memref<6400xi32, #tpu.memory_space<vmem>>
      %dma_start3A_104 = tpu.memref_slice %arg2[%min3A] : memref<3276800xi32, #tpu.memory_space<hbm>> -> memref<6400xi32, #tpu.memory_space<hbm>>
      %dma_start3A_105 = arith.constant 0 : i32
      %dma_start3A_106 = tpu.memref_slice %arg5[%dma_start3A_100, %dma_start3A_105] : memref<2x6400xi32, #tpu.memory_space<vmem>> -> memref<1x6400xi32, #tpu.memory_space<vmem>>
      %dma_start3A_107 = tpu.memref_squeeze %dma_start3A_106 : memref<1x6400xi32, #tpu.memory_space<vmem>> -> memref<6400xi32, #tpu.memory_space<vmem>>
      %dma_start3A_108 = tpu.memref_slice %arg2[%min3A] : memref<3276800xi32, #tpu.memory_space<hbm>> -> memref<6400xi32, #tpu.memory_space<hbm>>
      tpu.enqueue_dma source(%dma_start3A_108 : memref<6400xi32, #tpu.memory_space<hbm>>) target(%dma_start3A_107 : memref<6400xi32, #tpu.memory_space<vmem>>) target_semaphore(%arg8 : memref<!tpu.dma_semaphore, #tpu.memory_space<semaphore_mem>>)
      %mul3A_109 = arith.constant 6400 : i32
      %mul3A_110 = arith.muli %add3A_76, %mul3A_109 : i32
      %add3A_111 = arith.addi %mul3A_2, %mul3A_110 : i32
      %dma_start3A_112 = arith.constant 0 : i32
      %dma_start3A_113 = arith.constant 0 : i32
      %dma_start3A_114 = tpu.memref_slice %arg6[%dma_start3A_112, %dma_start3A_113] : memref<2x6400xf32, #tpu.memory_space<vmem>> -> memref<1x6400xf32, #tpu.memory_space<vmem>>
      %dma_start3A_115 = tpu.memref_squeeze %dma_start3A_114 : memref<1x6400xf32, #tpu.memory_space<vmem>> -> memref<6400xf32, #tpu.memory_space<vmem>>
      %dma_start3A_116 = tpu.memref_slice %arg4[%add3A_111] : memref<3276800xf32, #tpu.memory_space<hbm>> -> memref<6400xf32, #tpu.memory_space<hbm>>
      %dma_start3A_117 = tpu.memref_slice %arg4[%add3A_111] : memref<3276800xf32, #tpu.memory_space<hbm>> -> memref<6400xf32, #tpu.memory_space<hbm>>
      %dma_start3A_118 = arith.constant 0 : i32
      %dma_start3A_119 = tpu.memref_slice %arg6[%dma_start3A_112, %dma_start3A_118] : memref<2x6400xf32, #tpu.memory_space<vmem>> -> memref<1x6400xf32, #tpu.memory_space<vmem>>
      %dma_start3A_120 = tpu.memref_squeeze %dma_start3A_119 : memref<1x6400xf32, #tpu.memory_space<vmem>> -> memref<6400xf32, #tpu.memory_space<vmem>>
      tpu.enqueue_dma source(%dma_start3A_120 : memref<6400xf32, #tpu.memory_space<vmem>>) target(%dma_start3A_117 : memref<6400xf32, #tpu.memory_space<hbm>>) target_semaphore(%arg10 : memref<!tpu.dma_semaphore, #tpu.memory_space<semaphore_mem>>)
      %mul3A_121 = arith.constant 2 : i32
      %mul3A_122 = arith.muli %mul3A_121, %scan3A_72 : i32
      %add3A_123 = arith.constant 1 : i32
      %add3A_124 = arith.addi %mul3A_122, %add3A_123 : i32
      %dma_wait3A_125 = arith.constant 1 : i32
      %dma_wait3A_126 = arith.constant 0 : i32
      %dma_wait3A_127 = tpu.memref_slice %arg5[%dma_wait3A_125, %dma_wait3A_126] : memref<2x6400xi32, #tpu.memory_space<vmem>> -> memref<1x6400xi32, #tpu.memory_space<vmem>>
      %dma_wait3A_128 = tpu.memref_squeeze %dma_wait3A_127 : memref<1x6400xi32, #tpu.memory_space<vmem>> -> memref<6400xi32, #tpu.memory_space<vmem>>
      %dma_wait3A_129 = arith.constant 0 : i32
      %dma_wait3A_130 = tpu.memref_slice %arg2[%dma_wait3A_129] : memref<3276800xi32, #tpu.memory_space<hbm>> -> memref<6400xi32, #tpu.memory_space<hbm>>
      %dma_wait3A_131 = arith.constant 0 : i32
      %dma_wait3A_132 = tpu.memref_slice %arg5[%dma_wait3A_125, %dma_wait3A_131] : memref<2x6400xi32, #tpu.memory_space<vmem>> -> memref<1x6400xi32, #tpu.memory_space<vmem>>
      %dma_wait3A_133 = tpu.memref_squeeze %dma_wait3A_132 : memref<1x6400xi32, #tpu.memory_space<vmem>> -> memref<6400xi32, #tpu.memory_space<vmem>>
      %dma_wait3A_134 = arith.constant 0 : i32
      %dma_wait3A_135 = tpu.memref_slice %arg2[%dma_wait3A_134] : memref<3276800xi32, #tpu.memory_space<hbm>> -> memref<6400xi32, #tpu.memory_space<hbm>>
      tpu.wait_dma2 semaphore(%arg9 : memref<!tpu.dma_semaphore, #tpu.memory_space<semaphore_mem>>) src(%dma_wait3A_135 : memref<6400xi32, #tpu.memory_space<hbm>>) dst(%dma_wait3A_133 : memref<6400xi32, #tpu.memory_space<vmem>>)
      %gt3A_136 = arith.constant 0 : i32
      %gt3A_137 = arith.cmpi sgt, %scan3A_72, %gt3A_136 : i32
      %convert_element_type3A_138 = arith.extui %gt3A_137 : i1 to i32
      %cond3A_139 = arith.constant 0 : i32
      %cond3A_140 = arith.cmpi ne, %convert_element_type3A_138, %cond3A_139 : i32
      scf.if %cond3A_140 {
        %dma_wait3A_175 = arith.constant 1 : i32
        %dma_wait3A_176 = arith.constant 0 : i32
        %dma_wait3A_177 = tpu.memref_slice %arg6[%dma_wait3A_175, %dma_wait3A_176] : memref<2x6400xf32, #tpu.memory_space<vmem>> -> memref<1x6400xf32, #tpu.memory_space<vmem>>
        %dma_wait3A_178 = tpu.memref_squeeze %dma_wait3A_177 : memref<1x6400xf32, #tpu.memory_space<vmem>> -> memref<6400xf32, #tpu.memory_space<vmem>>
        %dma_wait3A_179 = arith.constant 0 : i32
        %dma_wait3A_180 = tpu.memref_slice %arg4[%dma_wait3A_179] : memref<3276800xf32, #tpu.memory_space<hbm>> -> memref<6400xf32, #tpu.memory_space<hbm>>
        %dma_wait3A_181 = arith.constant 0 : i32
        %dma_wait3A_182 = tpu.memref_slice %arg4[%dma_wait3A_181] : memref<3276800xf32, #tpu.memory_space<hbm>> -> memref<6400xf32, #tpu.memory_space<hbm>>
        %dma_wait3A_183 = arith.constant 0 : i32
        %dma_wait3A_184 = tpu.memref_slice %arg6[%dma_wait3A_175, %dma_wait3A_183] : memref<2x6400xf32, #tpu.memory_space<vmem>> -> memref<1x6400xf32, #tpu.memory_space<vmem>>
        %dma_wait3A_185 = tpu.memref_squeeze %dma_wait3A_184 : memref<1x6400xf32, #tpu.memory_space<vmem>> -> memref<6400xf32, #tpu.memory_space<vmem>>
        tpu.wait_dma2 semaphore(%arg11 : memref<!tpu.dma_semaphore, #tpu.memory_space<semaphore_mem>>) src(%dma_wait3A_185 : memref<6400xf32, #tpu.memory_space<vmem>>) dst(%dma_wait3A_182 : memref<6400xf32, #tpu.memory_space<hbm>>)
      } else {
      }
      %parallel_loop3A_141 = arith.constant 0 : i32
      %parallel_loop3A_142 = arith.constant 400 : i32
      %parallel_loop3A_143 = arith.constant 1 : i32
      scf.for %parallel_loop3A_175 = %parallel_loop3A_141 to %parallel_loop3A_142 step %parallel_loop3A_143  : i32 {
        %parallel_loop3A_176 = arith.constant 16 : i32
        %parallel_loop3A_177 = arith.muli %parallel_loop3A_175, %parallel_loop3A_176 : i32
        %parallel_loop3A_178 = arith.constant 1 : i32
        %parallel_loop3A_179 = arith.index_cast %parallel_loop3A_178 : i32 to index
        %parallel_loop3A_180 = arith.index_cast %parallel_loop3A_177 : i32 to index
        %parallel_loop3A_181 = tpu.vector_load %arg5[%parallel_loop3A_179, %parallel_loop3A_180] {strides = array<i32>} : memref<2x6400xi32, #tpu.memory_space<vmem>>, vector<16xi32>,
        %parallel_loop3A_182 = tpu.vector_load_idx %arg7[%parallel_loop3A_181] : memref<128xf32, #tpu.memory_space<vmem>>[vector<16xi32>], vector<16xf32>,
        %parallel_loop3A_183 = arith.constant 16 : i32
        %parallel_loop3A_184 = arith.muli %parallel_loop3A_175, %parallel_loop3A_183 : i32
        %parallel_loop3A_185 = arith.constant 1 : i32
        %parallel_loop3A_186 = arith.index_cast %parallel_loop3A_185 : i32 to index
        %parallel_loop3A_187 = arith.index_cast %parallel_loop3A_184 : i32 to index
        %parallel_loop3A_188 = tpu.vector_load %arg6[%parallel_loop3A_186, %parallel_loop3A_187] {strides = array<i32>} : memref<2x6400xf32, #tpu.memory_space<vmem>>, vector<16xf32>,
        tpu.vector_store %arg6[%parallel_loop3A_186, %parallel_loop3A_187], %parallel_loop3A_182 {strides = array<i32>} : memref<2x6400xf32, #tpu.memory_space<vmem>>, vector<16xf32>,
      } {sc.loop_unroll_factor = 4 : i64, sc.parallel_access}
      %add3A_144 = arith.constant 2 : i32
      %add3A_145 = arith.addi %add3A_124, %add3A_144 : i32
      %mul3A_146 = arith.constant 6400 : i32
      %mul3A_147 = arith.muli %add3A_145, %mul3A_146 : i32
      %add3A_148 = arith.addi %mul3A_2, %mul3A_147 : i32
      %add3A_149 = arith.constant 102400 : i32
      %add3A_150 = arith.addi %mul3A_2, %add3A_149 : i32
      %sub3A_151 = arith.constant 6400 : i32
      %sub3A_152 = arith.subi %add3A_150, %sub3A_151 : i32
      %min3A_153 = arith.minsi %add3A_148, %sub3A_152 : i32
      %dma_start3A_154 = arith.constant 1 : i32
      %dma_start3A_155 = arith.constant 0 : i32
      %dma_start3A_156 = tpu.memref_slice %arg5[%dma_start3A_154, %dma_start3A_155] : memref<2x6400xi32, #tpu.memory_space<vmem>> -> memref<1x6400xi32, #tpu.memory_space<vmem>>
      %dma_start3A_157 = tpu.memref_squeeze %dma_start3A_156 : memref<1x6400xi32, #tpu.memory_space<vmem>> -> memref<6400xi32, #tpu.memory_space<vmem>>
      %dma_start3A_158 = tpu.memref_slice %arg2[%min3A_153] : memref<3276800xi32, #tpu.memory_space<hbm>> -> memref<6400xi32, #tpu.memory_space<hbm>>
      %dma_start3A_159 = arith.constant 0 : i32
      %dma_start3A_160 = tpu.memref_slice %arg5[%dma_start3A_154, %dma_start3A_159] : memref<2x6400xi32, #tpu.memory_space<vmem>> -> memref<1x6400xi32, #tpu.memory_space<vmem>>
      %dma_start3A_161 = tpu.memref_squeeze %dma_start3A_160 : memref<1x6400xi32, #tpu.memory_space<vmem>> -> memref<6400xi32, #tpu.memory_space<vmem>>
      %dma_start3A_162 = tpu.memref_slice %arg2[%min3A_153] : memref<3276800xi32, #tpu.memory_space<hbm>> -> memref<6400xi32, #tpu.memory_space<hbm>>
      tpu.enqueue_dma source(%dma_start3A_162 : memref<6400xi32, #tpu.memory_space<hbm>>) target(%dma_start3A_161 : memref<6400xi32, #tpu.memory_space<vmem>>) target_semaphore(%arg9 : memref<!tpu.dma_semaphore, #tpu.memory_space<semaphore_mem>>)
      %mul3A_163 = arith.constant 6400 : i32
      %mul3A_164 = arith.muli %add3A_124, %mul3A_163 : i32
      %add3A_165 = arith.addi %mul3A_2, %mul3A_164 : i32
      %dma_start3A_166 = arith.constant 1 : i32
      %dma_start3A_167 = arith.constant 0 : i32
      %dma_start3A_168 = tpu.memref_slice %arg6[%dma_start3A_166, %dma_start3A_167] : memref<2x6400xf32, #tpu.memory_space<vmem>> -> memref<1x6400xf32, #tpu.memory_space<vmem>>
      %dma_start3A_169 = tpu.memref_squeeze %dma_start3A_168 : memref<1x6400xf32, #tpu.memory_space<vmem>> -> memref<6400xf32, #tpu.memory_space<vmem>>
      %dma_start3A_170 = tpu.memref_slice %arg4[%add3A_165] : memref<3276800xf32, #tpu.memory_space<hbm>> -> memref<6400xf32, #tpu.memory_space<hbm>>
      %dma_start3A_171 = tpu.memref_slice %arg4[%add3A_165] : memref<3276800xf32, #tpu.memory_space<hbm>> -> memref<6400xf32, #tpu.memory_space<hbm>>
      %dma_start3A_172 = arith.constant 0 : i32
      %dma_start3A_173 = tpu.memref_slice %arg6[%dma_start3A_166, %dma_start3A_172] : memref<2x6400xf32, #tpu.memory_space<vmem>> -> memref<1x6400xf32, #tpu.memory_space<vmem>>
      %dma_start3A_174 = tpu.memref_squeeze %dma_start3A_173 : memref<1x6400xf32, #tpu.memory_space<vmem>> -> memref<6400xf32, #tpu.memory_space<vmem>>
      tpu.enqueue_dma source(%dma_start3A_174 : memref<6400xf32, #tpu.memory_space<vmem>>) target(%dma_start3A_171 : memref<6400xf32, #tpu.memory_space<hbm>>) target_semaphore(%arg11 : memref<!tpu.dma_semaphore, #tpu.memory_space<semaphore_mem>>)
    }
    %scan3A_28 = arith.constant 8 : i32
    %dma_wait3A = arith.constant 0 : i32
    %dma_wait3A_29 = arith.constant 0 : i32
    %dma_wait3A_30 = tpu.memref_slice %arg5[%dma_wait3A, %dma_wait3A_29] : memref<2x6400xi32, #tpu.memory_space<vmem>> -> memref<1x6400xi32, #tpu.memory_space<vmem>>
    %dma_wait3A_31 = tpu.memref_squeeze %dma_wait3A_30 : memref<1x6400xi32, #tpu.memory_space<vmem>> -> memref<6400xi32, #tpu.memory_space<vmem>>
    %dma_wait3A_32 = arith.constant 0 : i32
    %dma_wait3A_33 = tpu.memref_slice %arg2[%dma_wait3A_32] : memref<3276800xi32, #tpu.memory_space<hbm>> -> memref<6400xi32, #tpu.memory_space<hbm>>
    %dma_wait3A_34 = arith.constant 0 : i32
    %dma_wait3A_35 = tpu.memref_slice %arg5[%dma_wait3A, %dma_wait3A_34] : memref<2x6400xi32, #tpu.memory_space<vmem>> -> memref<1x6400xi32, #tpu.memory_space<vmem>>
    %dma_wait3A_36 = tpu.memref_squeeze %dma_wait3A_35 : memref<1x6400xi32, #tpu.memory_space<vmem>> -> memref<6400xi32, #tpu.memory_space<vmem>>
    %dma_wait3A_37 = arith.constant 0 : i32
    %dma_wait3A_38 = tpu.memref_slice %arg2[%dma_wait3A_37] : memref<3276800xi32, #tpu.memory_space<hbm>> -> memref<6400xi32, #tpu.memory_space<hbm>>
    tpu.wait_dma2 semaphore(%arg8 : memref<!tpu.dma_semaphore, #tpu.memory_space<semaphore_mem>>) src(%dma_wait3A_38 : memref<6400xi32, #tpu.memory_space<hbm>>) dst(%dma_wait3A_36 : memref<6400xi32, #tpu.memory_space<vmem>>)
    %dma_wait3A_39 = arith.constant 0 : i32
    %dma_wait3A_40 = arith.constant 0 : i32
    %dma_wait3A_41 = tpu.memref_slice %arg6[%dma_wait3A_39, %dma_wait3A_40] : memref<2x6400xf32, #tpu.memory_space<vmem>> -> memref<1x6400xf32, #tpu.memory_space<vmem>>
    %dma_wait3A_42 = tpu.memref_squeeze %dma_wait3A_41 : memref<1x6400xf32, #tpu.memory_space<vmem>> -> memref<6400xf32, #tpu.memory_space<vmem>>
    %dma_wait3A_43 = arith.constant 0 : i32
    %dma_wait3A_44 = tpu.memref_slice %arg4[%dma_wait3A_43] : memref<3276800xf32, #tpu.memory_space<hbm>> -> memref<6400xf32, #tpu.memory_space<hbm>>
    %dma_wait3A_45 = arith.constant 0 : i32
    %dma_wait3A_46 = tpu.memref_slice %arg4[%dma_wait3A_45] : memref<3276800xf32, #tpu.memory_space<hbm>> -> memref<6400xf32, #tpu.memory_space<hbm>>
    %dma_wait3A_47 = arith.constant 0 : i32
    %dma_wait3A_48 = tpu.memref_slice %arg6[%dma_wait3A_39, %dma_wait3A_47] : memref<2x6400xf32, #tpu.memory_space<vmem>> -> memref<1x6400xf32, #tpu.memory_space<vmem>>
    %dma_wait3A_49 = tpu.memref_squeeze %dma_wait3A_48 : memref<1x6400xf32, #tpu.memory_space<vmem>> -> memref<6400xf32, #tpu.memory_space<vmem>>
    tpu.wait_dma2 semaphore(%arg10 : memref<!tpu.dma_semaphore, #tpu.memory_space<semaphore_mem>>) src(%dma_wait3A_49 : memref<6400xf32, #tpu.memory_space<vmem>>) dst(%dma_wait3A_46 : memref<6400xf32, #tpu.memory_space<hbm>>)
    %dma_wait3A_50 = arith.constant 1 : i32
    %dma_wait3A_51 = arith.constant 0 : i32
    %dma_wait3A_52 = tpu.memref_slice %arg5[%dma_wait3A_50, %dma_wait3A_51] : memref<2x6400xi32, #tpu.memory_space<vmem>> -> memref<1x6400xi32, #tpu.memory_space<vmem>>
    %dma_wait3A_53 = tpu.memref_squeeze %dma_wait3A_52 : memref<1x6400xi32, #tpu.memory_space<vmem>> -> memref<6400xi32, #tpu.memory_space<vmem>>
    %dma_wait3A_54 = arith.constant 0 : i32
    %dma_wait3A_55 = tpu.memref_slice %arg2[%dma_wait3A_54] : memref<3276800xi32, #tpu.memory_space<hbm>> -> memref<6400xi32, #tpu.memory_space<hbm>>
    %dma_wait3A_56 = arith.constant 0 : i32
    %dma_wait3A_57 = tpu.memref_slice %arg5[%dma_wait3A_50, %dma_wait3A_56] : memref<2x6400xi32, #tpu.memory_space<vmem>> -> memref<1x6400xi32, #tpu.memory_space<vmem>>
    %dma_wait3A_58 = tpu.memref_squeeze %dma_wait3A_57 : memref<1x6400xi32, #tpu.memory_space<vmem>> -> memref<6400xi32, #tpu.memory_space<vmem>>
    %dma_wait3A_59 = arith.constant 0 : i32
    %dma_wait3A_60 = tpu.memref_slice %arg2[%dma_wait3A_59] : memref<3276800xi32, #tpu.memory_space<hbm>> -> memref<6400xi32, #tpu.memory_space<hbm>>
    tpu.wait_dma2 semaphore(%arg9 : memref<!tpu.dma_semaphore, #tpu.memory_space<semaphore_mem>>) src(%dma_wait3A_60 : memref<6400xi32, #tpu.memory_space<hbm>>) dst(%dma_wait3A_58 : memref<6400xi32, #tpu.memory_space<vmem>>)
    %dma_wait3A_61 = arith.constant 1 : i32
    %dma_wait3A_62 = arith.constant 0 : i32
    %dma_wait3A_63 = tpu.memref_slice %arg6[%dma_wait3A_61, %dma_wait3A_62] : memref<2x6400xf32, #tpu.memory_space<vmem>> -> memref<1x6400xf32, #tpu.memory_space<vmem>>
    %dma_wait3A_64 = tpu.memref_squeeze %dma_wait3A_63 : memref<1x6400xf32, #tpu.memory_space<vmem>> -> memref<6400xf32, #tpu.memory_space<vmem>>
    %dma_wait3A_65 = arith.constant 0 : i32
    %dma_wait3A_66 = tpu.memref_slice %arg4[%dma_wait3A_65] : memref<3276800xf32, #tpu.memory_space<hbm>> -> memref<6400xf32, #tpu.memory_space<hbm>>
    %dma_wait3A_67 = arith.constant 0 : i32
    %dma_wait3A_68 = tpu.memref_slice %arg4[%dma_wait3A_67] : memref<3276800xf32, #tpu.memory_space<hbm>> -> memref<6400xf32, #tpu.memory_space<hbm>>
    %dma_wait3A_69 = arith.constant 0 : i32
    %dma_wait3A_70 = tpu.memref_slice %arg6[%dma_wait3A_61, %dma_wait3A_69] : memref<2x6400xf32, #tpu.memory_space<vmem>> -> memref<1x6400xf32, #tpu.memory_space<vmem>>
    %dma_wait3A_71 = tpu.memref_squeeze %dma_wait3A_70 : memref<1x6400xf32, #tpu.memory_space<vmem>> -> memref<6400xf32, #tpu.memory_space<vmem>>
    tpu.wait_dma2 semaphore(%arg11 : memref<!tpu.dma_semaphore, #tpu.memory_space<semaphore_mem>>) src(%dma_wait3A_71 : memref<6400xf32, #tpu.memory_space<vmem>>) dst(%dma_wait3A_68 : memref<6400xf32, #tpu.memory_space<hbm>>)
    return
  }
}

module attributes {stable_mosaic.version = 14 : i64} {
  func.func @_gate_table_body(%arg0: memref<128x64xf32, #tpu.memory_space<vmem>>, %arg1: memref<1x64xf32, #tpu.memory_space<vmem>>, %arg2: memref<1x1xf32, #tpu.memory_space<vmem>>, %arg3: memref<1x128xf32, #tpu.memory_space<vmem>>) attributes {dimension_semantics = [], scalar_prefetch = 0 : i64, scratch_operands = 0 : i64, tpu.core_type = #tpu.core_type<tc>} {
    %get3A = arith.constant 0 : index
    %get3A_0 = arith.constant 0 : index
    %get3A_1 = vector.load %arg0[%get3A, %get3A_0] : memref<128x64xf32, #tpu.memory_space<vmem>>, vector<128x64xf32>
    %get3A_2 = arith.constant 0 : index
    %get3A_3 = arith.constant 0 : index
    %get3A_4 = vector.load %arg1[%get3A_2, %get3A_3] : memref<1x64xf32, #tpu.memory_space<vmem>>, vector<1x64xf32>
    %mul3A = vector.broadcast %get3A_4 : vector<1x64xf32> to vector<128x64xf32>
    %mul3A_5 = arith.mulf %get3A_1, %mul3A : vector<128x64xf32>
    %reduce_sum3A = arith.constant dense<0.000000e+00> : vector<128xf32>
    %reduce_sum3A_6 = vector.multi_reduction <add>, %mul3A_5, %reduce_sum3A [1] : vector<128x64xf32> to vector<128xf32>
    %get3A_7 = arith.constant 0 : index
    %get3A_8 = arith.constant 0 : index
    %get3A_9 = vector.load %arg2[%get3A_7, %get3A_8] : memref<1x1xf32, #tpu.memory_space<vmem>>, vector<1x1xf32>
    %get3A_10 = vector.extract %get3A_9[0, 0] : f32 from vector<1x1xf32>
    %add3A = vector.broadcast %get3A_10 : f32 to vector<128xf32>
    %add3A_11 = arith.addf %reduce_sum3A_6, %add3A : vector<128xf32>
    %logistic3A = arith.negf %add3A_11 : vector<128xf32>
    %logistic3A_12 = math.exp %logistic3A : vector<128xf32>
    %logistic3A_13 = arith.constant 1.000000e+00 : f32
    %logistic3A_14 = vector.broadcast %logistic3A_13 : f32 to vector<128xf32>
    %logistic3A_15 = arith.addf %logistic3A_14, %logistic3A_12 : vector<128xf32>
    %logistic3A_16 = arith.divf %logistic3A_14, %logistic3A_15 : vector<128xf32>
    %broadcast_in_dim3A = vector.shape_cast %logistic3A_16 : vector<128xf32> to vector<1x128xf32>
    %swap3A = arith.constant 0 : index
    %swap3A_17 = arith.constant 0 : index
    %swap3A_18 = vector.load %arg3[%swap3A, %swap3A_17] : memref<1x128xf32, #tpu.memory_space<vmem>>, vector<1x128xf32>
    tpu.vector_store %arg3[%swap3A, %swap3A_17], %broadcast_in_dim3A {strides = array<i32>} : memref<1x128xf32, #tpu.memory_space<vmem>>, vector<1x128xf32>,
    return
  }
}

module attributes {stable_mosaic.version = 14 : i64} {
  func.func @_h_expand_body(%arg0: i32, %arg1: memref<64x200xi32, #tpu.memory_space<vmem>>, %arg2: memref<128x64xf32, #tpu.memory_space<vmem>>, %arg3: memref<64x200x64xf32, #tpu.memory_space<vmem>>) attributes {dimension_semantics = [#tpu.dimension_semantics<arbitrary>], iteration_bounds = array<i64: 256>, scalar_prefetch = 0 : i64, scratch_operands = 0 : i64, tpu.core_type = #tpu.core_type<tc>, window_params = [{transform_indices = @transform_0, window_bounds = array<i64: 64, 200>}, {pipeline_mode = #tpu.pipeline_mode<synchronous>, transform_indices = @transform_1, window_bounds = array<i64: 128, 64>}, {transform_indices = @transform_2, window_bounds = array<i64: 64, 200, 64>}]} {
    %get3A = arith.constant 0 : index
    %get3A_0 = arith.constant 0 : index
    %get3A_1 = vector.load %arg1[%get3A, %get3A_0] : memref<64x200xi32, #tpu.memory_space<vmem>>, vector<64x200xi32>
    %broadcast_in_dim3A = vector.shape_cast %get3A_1 : vector<64x200xi32> to vector<64x200x1xi32>
    %iota3A = tpu.iota {dimensions = array<i32: 2>} : vector<64x200x128xi32>
    %eq3A = vector.broadcast %broadcast_in_dim3A : vector<64x200x1xi32> to vector<64x200x128xi32>
    %eq3A_2 = arith.cmpi eq, %eq3A, %iota3A : vector<64x200x128xi32>
    %convert_element_type3A = arith.extui %eq3A_2 : vector<64x200x128xi1> to vector<64x200x128xi32>
    %convert_element_type3A_3 = arith.sitofp %convert_element_type3A : vector<64x200x128xi32> to vector<64x200x128xf32>
    %get3A_4 = arith.constant 0 : index
    %get3A_5 = arith.constant 0 : index
    %get3A_6 = vector.load %arg2[%get3A_4, %get3A_5] : memref<128x64xf32, #tpu.memory_space<vmem>>, vector<128x64xf32>
    %dot_general3A = arith.constant dense<0.000000e+00> : vector<64x200x64xf32>
    %dot_general3A_7 = tpu.matmul %convert_element_type3A_3, %get3A_6, %dot_general3A {dimension_numbers = #tpu.dot_dimension_numbers<[2], [0], [0, 1], [1], [0, 0, 0, 1, 1, 1], [], []>, transpose_lhs_hint = false} : vector<64x200x128xf32>, vector<128x64xf32>, vector<64x200x64xf32> -> vector<64x200x64xf32>
    %swap3A = arith.constant 0 : index
    %swap3A_8 = arith.constant 0 : index
    %swap3A_9 = arith.constant 0 : index
    %swap3A_10 = vector.load %arg3[%swap3A, %swap3A_8, %swap3A_9] : memref<64x200x64xf32, #tpu.memory_space<vmem>>, vector<64x200x64xf32>
    tpu.vector_store %arg3[%swap3A, %swap3A_8, %swap3A_9], %dot_general3A_7 {strides = array<i32>} : memref<64x200x64xf32, #tpu.memory_space<vmem>>, vector<64x200x64xf32>,
    return
  }
  func.func @transform_0(%arg0: i32) -> (i32, i32) {
    %c0_i32 = arith.constant 0 : i32
    %c0_i32_0 = arith.constant 0 : i32
    return %arg0, %c0_i32 : i32, i32
  }
  func.func @transform_1(%arg0: i32) -> (i32, i32) {
    %c0_i32 = arith.constant 0 : i32
    %c0_i32_0 = arith.constant 0 : i32
    %c0_i32_1 = arith.constant 0 : i32
    return %c0_i32, %c0_i32_0 : i32, i32
  }
  func.func @transform_2(%arg0: i32) -> (i32, i32, i32) {
    %c0_i32 = arith.constant 0 : i32
    %c0_i32_0 = arith.constant 0 : i32
    %c0_i32_1 = arith.constant 0 : i32
    return %arg0, %c0_i32, %c0_i32_0 : i32, i32, i32
  }
}

</mosaic_0001>

<sc_bundles>
// kernel: kernel.5.cloned.1.call-start
scs
__scs_entry_jumppad:
0x0: {  	(pc) =	sbr.rel $0x88, $3  }
0x1: {  	(tag) =	ssettag $0x0;
	lr =	simm.s32 $0x1  }
0x2: {  	[smem:$0x3F9D] =	sst lr;
	_ =	strace $0xD0000000  }
0x3: {  	_ = 	snop  }
0x4: {  	_ = 	snop  }
0x5: {  	_ = 	snop  }
0x6: {  	_ = 	snop  }
0x7: {  	_ = 	snop  }
__scs_overlays_trampoline_lowered:
0x8: {  	[smem:$0x3FAC] =	sst s0  }
0x9: {  	[smem:$0x3FAD] =	sst s1  }
0xa: {  	[smem:$0x3FAE] =	sst s2  }
0xb: {  	[smem:$0x3FAF] =	sst s3  }
0xc: {  	[smem:$0x3FB0] =	sst s4  }
0xd: {  	[smem:$0x3FB1] =	sst s5  }
0xe: {  	[smem:$0x3FB2] =	sst s6  }
0xf: {  	[smem:$0x3FB3] =	sst s7  }
0x10: {  	[smem:$0x3FB4] =	sst s8  }
0x11: {  	[smem:$0x3FB5] =	sst s9;
	s0 =	simm.s32 @!p0 $0x0  }
0x12: {  	s1 =	sld [smem:$0x3F9B];
	s0 =	simm.s32 @p0 $0x1  }
0x13: {  	[smem:$0x3FB6] =	sst s0;
	s0 =	simm.s32 @!p1 $0x0  }
0x14: {  	s2 =	sld [smem:$0x3F9A];
	s0 =	simm.s32 @p1 $0x1  }
0x15: {  	[smem:$0x3FB7] =	sst s0;
	s0 =	simm.s32 @!p2 $0x0  }
0x16: {  	s3 =	sld [smem:$0x3FDB];
	s0 =	simm.s32 @p2 $0x1  }
0x17: {  	s4 =	simm.s32 $0x1BF5;
	[smem:$0x3FB9] =	sst s0  }
0x18: {  	s0 =	sld [smem:$0x3F9C];
	_ =	swait.ge [sflag:s4], $0x0  }
0x19: {  	s7 =	sld [smem:$0x3F9D]  }
0x1a: {  	s8 =	sadd.s32 $0xFFFFE003, lr  }
0x1b: {  	s9 =	sadd.s32 $0xFFFFFEF7, lr;
	s5 =	simm.s32 $0xFFFFFFFF;
	p2 =	slt.u32 s8, $0xFFFFF086  }
0x1c: {  	p1 =	slt.u32 s9, $0xF7A;
	s5 =	simm.s32 @!p2 $0x0  }
0x1d: {  	s5 =	simm.s32 @p1 $0x1;
	p0 =	seq.s32 s7, s2  }
0x1e: {  	s7 =	smul.u32 @!p0 $0xF7A, s2;
	p2 =	seq.s32 @!p0 s5, $0x0  }
0x1f: {  	s9 =	smul.u32 $0xF7A, s1;
	s8 =	simm.s32 @!p0 $0x1BF5;
	p2 =	por !p2, p0  }
0x20: {  	[sflag:s8] =	ssyncset.s32 @!p0 $0xFFFFF086;
	s6 =	sadd.s32 @!p0 s3, s7;
	s7 =	simm.s32 @!p0 $0x108  }
0x21: {  	s3 =	sadd.s32 s3, s9;
	s6 =	sadd.s32 @!p0 $0x88, s6;
	s7 =	simm.s32 @p2 $0x1082  }
0x22: {  	[simem:s7], [sflag:s8] =	dma.local @!p0 [hbm:s6], $0xF7A  }
0x23: {  	s9 =	sor.u32 $0xD0000000, s2;
	s6 =	simm.s32 $0x108;
	_ =	swait.ge @!p0 [sflag:s8], $0x0  }
0x24: {  	s3 =	sadd.s32 $0x88, s3;
	s6 =	simm.s32 @!p1 $0x1082;
	[sflag:s4] =	ssyncset.s32 $0xFFFFF086  }
0x25: {  	[simem:s6], [sflag:s4] =	dma.local [hbm:s3], $0xF7A  }
0x26: {  	[smem:$0x3F9D] =	sst s1;
	(tag) =	ssettag s2;
	_ =	strace s9  }
0x27: {  	s1 =	sld [smem:$0x3FAD]  }
0x28: {  	s2 =	sld [smem:$0x3FAE]  }
0x29: {  	s4 =	sld [smem:$0x3FB0]  }
0x2a: {  	p0 =	seq.s32 s5, $0x0;
	s5 =	sld [smem:$0x3FB1]  }
0x2b: {  	s6 =	sld [smem:$0x3FB2]  }
0x2c: {  	s7 =	sld [smem:$0x3FB3]  }
0x2d: {  	s3 =	simm.s32 $0x108;
	s8 =	sld [smem:$0x3FB4]  }
0x2e: {  	s3 =	simm.s32 @!p0 $0x1082;
	s9 =	sld [smem:$0x3FB5]  }
0x2f: {  	lr =	sadd.s32 s0, s3;
	s0 =	sld [smem:$0x3FAC]  }
0x30: {  	s3 =	sld [smem:$0x3FAF]  }
0x31: {  	[smem:$0x3FB8] =	sst s10  }
0x32: {  	s10 =	sld [smem:$0x3FB6];
	_ =	sdelay $0x3  }
0x33: {  	p0 =	seq.s32 s10, $0x1;
	s10 =	sld [smem:$0x3FB8];
	_ =	sdelay $0x3  }
0x34: {  	[smem:$0x3FB8] =	sst s10  }
0x35: {  	s10 =	sld [smem:$0x3FB7];
	_ =	sdelay $0x3  }
0x36: {  	p1 =	seq.s32 s10, $0x1;
	s10 =	sld [smem:$0x3FB8];
	_ =	sdelay $0x3  }
0x37: {  	[smem:$0x3FB8] =	sst s10  }
0x38: {  	s10 =	sld [smem:$0x3FB9]  }
0x39: {  	_ = 	snop;
	(pc) =	sbr.ind lr, $3  }
0x3a: {  	_ = 	snop  }
0x3b: {  	_ = 	snop  }
0x3c: {  	p2 =	seq.s32 s10, $0x1;
	s10 =	sld [smem:$0x3FB8]  }
0x3d: {  	_ =	shalt  }
0x3e: {  	_ =	shalt  }
0x3f: {  	_ =	shalt  }
0x40: {  	_ =	shalt  }
0x41: {  	_ =	shalt  }
0x42: {  	_ =	shalt  }
0x43: {  	_ =	shalt  }
0x44: {  	_ =	shalt  }
0x45: {  	_ =	shalt  }
0x46: {  	_ =	shalt  }
0x47: {  	_ =	shalt  }
0x48: {  	_ =	shalt  }
0x49: {  	_ =	shalt  }
0x4a: {  	_ =	shalt  }
0x4b: {  	_ =	shalt  }
0x4c: {  	_ =	shalt  }
0x4d: {  	_ =	shalt  }
0x4e: {  	_ =	shalt  }
0x4f: {  	_ =	shalt  }
0x50: {  	_ =	shalt  }
0x51: {  	_ =	shalt  }
0x52: {  	_ =	shalt  }
0x53: {  	_ =	shalt  }
0x54: {  	_ =	shalt  }
0x55: {  	_ =	shalt  }
0x56: {  	_ =	shalt  }
0x57: {  	_ =	shalt  }
0x58: {  	_ =	shalt  }
0x59: {  	_ =	shalt  }
0x5a: {  	_ =	shalt  }
0x5b: {  	_ =	shalt  }
0x5c: {  	_ =	shalt  }
0x5d: {  	_ =	shalt  }
0x5e: {  	_ =	shalt  }
0x5f: {  	_ =	shalt  }
0x60: {  	_ =	shalt  }
0x61: {  	_ =	shalt  }
0x62: {  	_ =	shalt  }
0x63: {  	_ =	shalt  }
0x64: {  	_ =	shalt  }
0x65: {  	_ =	shalt  }
0x66: {  	_ =	shalt  }
0x67: {  	_ =	shalt  }
0x68: {  	_ =	shalt  }
0x69: {  	_ =	shalt  }
0x6a: {  	_ =	shalt  }
0x6b: {  	_ =	shalt  }
0x6c: {  	_ =	shalt  }
0x6d: {  	_ =	shalt  }
0x6e: {  	_ =	shalt  }
0x6f: {  	_ =	shalt  }
0x70: {  	_ =	shalt  }
0x71: {  	_ =	shalt  }
0x72: {  	_ =	shalt  }
0x73: {  	_ =	shalt  }
0x74: {  	_ =	shalt  }
0x75: {  	_ =	shalt  }
0x76: {  	_ =	shalt  }
0x77: {  	_ =	shalt  }
0x78: {  	_ =	shalt  }
0x79: {  	_ =	shalt  }
0x7a: {  	_ =	shalt  }
0x7b: {  	_ =	shalt  }
0x7c: {  	_ =	shalt  }
0x7d: {  	_ =	shalt  }
0x7e: {  	_ =	shalt  }
0x7f: {  	_ =	shalt  }
0x80: {  	_ =	shalt  }
0x81: {  	_ =	shalt  }
0x82: {  	_ =	shalt  }
0x83: {  	_ =	shalt  }
0x84: {  	_ =	shalt  }
0x85: {  	_ =	shalt  }
0x86: {  	_ =	shalt  }
0x87: {  	_ =	shalt  }
.Lfunc_end0:
.L_simem_size_0:
called_computation_lowered:
.L_overlay_start_0:
0x88: {  	s2 =	sld [smem:$0x3FD9]  }
0x89: {  	s3 =	sld [smem:$0x3FFE];
	_ =	sdelay $0x1  }
0x8a: {  	s1 =	srdreg.scid  }
0x8b: {  	s0 =	sand.u32 $0x1, s1  }
0x8c: {  	s14 =	sshll.u32 s0, $0xA;
	s2 =	sadd.s32 s3, s2  }
0x8d: {  	s2 =	sadd.s32 s2, s14  }
0x8e: {  	[smem:$0x3FC4] =	sst s2  }
0x8f: {  	_ = 	snop  }
0x90: {  	s2 =	sld [smem:$0x3FD0];
	_ =	sdelay $0x2  }
0x91: {  	s15 =	simm.s32 $0xA;
	s4 =	simm.s32 $0x10  }
0x92: {  	[smem:s4], [sflag:s15] =	dma.local [hbm:s2], $0x1  }
0x93: {  	_ =	swait.eq [sflag:s15], $0x1  }
0x94: {  	[sflag:s15] =	ssyncset.done $0x0  }
0x95: {  	[sflag:s15] =	ssyncadd.s32 $0xFFFFFFFF  }
0x96: {  	s16 =	sld [smem:$0x10];
	(tm) =	ssettm $0x1  }
0x97: {  	s17 =	sld [smem:$0x3FFB];
	_ =	sdelay $0x3  }
0x98: {  	_ =	strace s17  }
0x99: {  	s3 =	sld [smem:$0x3FFC];
	_ =	sdelay $0x3  }
0x9a: {  	_ =	strace s3  }
0x9b: {  	s3 =	sld [smem:$0x3FFD];
	_ =	sdelay $0x3  }
0x9c: {  	_ =	strace s3  }
0x9d: {  	_ =	strace $0x8FFFFFFF  }
0x9e: {  	s18 =	sld [smem:$0x3FDB];
	_ =	sdelay $0x1  }
0x9f: {  	s19 =	simm.s32 $_scs_section_size  }
0xa0: {  	s5 =	simm.s32 $_size__tile_overlayer_lowered;
	s6 =	simm.s32 $_tile_overlayer_lowered  }
0xa1: {  	s22 =	simm.s32 $0x1BFF;
	s21 =	sshll.u32 s6, $0x1;
	s3 =	sadd.s32 s19, s18  }
0xa2: {  	s7 =	simm.s32 $0x0;
	s20 =	sshll.u32 s5, $0x1;
	s5 =	sadd.s32 s21, s3  }
0xa3: {  	[timem:s7], [sflag:s22] =	dma.local [hbm:s5], s20  }
0xa4: {  	_ =	swait.ge [sflag:s22], s20  }
0xa5: {  	s4 =	ssub.s32 $0x0, s20;
	[sflag:s22] =	ssyncset.done $0x0  }
0xa6: {  	[sflag:s22] =	ssyncadd.s32 s4;
	_ =	sdelay $0x1  }
0xa7: {  	s23 =	simm.s32 $0x1B8B  }
0xa8: {  	_ =	swait.ge [sflag:s23], $0x1  }
0xa9: {  	[sflag:s23] =	ssyncset.done $0x0  }
0xaa: {  	s25 =	simm.s32 $0x1B8E;
	s24 =	sld [smem:$0x3FFE];
	[sflag:s23] =	ssyncadd.s32 $0xFFFFFFFF  }
0xab: {  	s26 =	simm.s32 $execute0_lowered;
	[smem:$0x3FD2] =	sst s25  }
0xac: {  	s5 =	sshll.u32 s26, $0x1;
	_ =	strace $0x80000046;
	[dreg:$0x1] =	wrdreg $0xFFFFFFFF  }
0xad: {  	s28 =	simm.s32 $_size_execute0_lowered;
	s3 =	sadd.s32 s3, s5;
	[dreg:$0x0] =	wrdreg $0x0  }
0xae: {  	s5 =	sshll.u32 s28, $0x1;
	[dreg:$0x2] =	wrdreg s3  }
0xaf: {  	[dreg:$0x3] =	wrdreg s5  }
0xb0: {  	[dreg:$0x4] =	wrdreg $0xC0  }
0xb1: {  	_ =	task [dreg:s7], $0x5FFFF  }
0xb2: {  	[dreg:$0x1] =	wrdreg $0xFFFFFFFF  }
0xb3: {  	[dreg:$0x0] =	wrdreg $0x60  }
0xb4: {  	[dreg:$0x2] =	wrdreg s16  }
0xb5: {  	[dreg:$0x3] =	wrdreg s24  }
0xb6: {  	[dreg:$0x4] =	wrdreg $0x9  }
0xb7: {  	_ =	task.clear_ibuf [dreg:s7], $0x5FFFF;
	_ =	strace $0x90000046  }
0xb8: {  	s29 =	simm.s32 $0x9;
	_ =	strace $0x80000048  }
0xb9: {  	_ =	swait.ge [sflag:s29], $0x1  }
0xba: {  	[sflag:s29] =	ssyncadd.s32 $0xFFFFFFFF  }
0xbb: {  	_ =	strace $0x90000048  }
0xbc: {  	_ =	sfence  }
0xbd: {  	s30 =	sld [smem:$0x0];
	_ =	sdelay $0x2  }
0xbe: {  	s31 =	sshll.u32 s1, $0xD;
	s1 =	sshrl.u32 s1, $0x2  }
0xbf: {  	s3 =	sand.u32 $0x4000, s31;
	s1 =	sadd.s32 s1, s30  }
0xc0: {  	s0 =	sor.u32 s3, s0;
	s1 =	sshll.u32 s1, $0x11  }
0xc1: {  	s0 =	sor.u32 s1, s0  }
0xc2: {  	s0 =	sadd.s32 $0x8F2B, s0  }
0xc3: {  	[sflag:s0] =	ssyncadd.remote.s32 $0x1  }
0xc4: {  	_ =	sfence.sel $0xFFFF  }
0xc5: {  	[dreg:$0x0] =	wrdreg $0xFFFFFFFF;
	(pc) =	sbr.abs _section_cstart, $3  }
0xc6: {  	[dreg:$0x1] =	wrdreg $0xFFFFFFFF  }
0xc7: {  	_ =	task.clear_ibuf [dreg:s7], $0x2FFFF;
	_ =	strace $0x9FFFFFFF  }
0xc8: {  	(tm) =	ssettm $0x7FFFFFFF  }
0xc9: {  	_ =	shalt  }
tec
execute0_lowered:
.L_overlay_start_1:
0x0: {  	(tag) =	ssettag $0x1  }
0x1: {  	s2 =	rddreg [dreg:$0x0]  }
0x2: {  	s6 =	rddreg [dreg:$0x1]  }
0x3: {  	s0 =	rddreg [dreg:$0x2]  }
0x4: {  	s4 =	srdreg.scid;
	s1 =	stileid.u32;
	s3 =	simm.s32 $0x0  }
0x5: {  	s14 =	simm.s32 $0x6400;
	s15 =	simm.s32 $0x5;
	s16 =	simm.s32 $0x1900  }
0x6: {  	s17 =	simm.s32 $0x1;
	s18 =	simm.s32 $0x3200;
	s19 =	simm.s32 $0x2  }
0x7: {  	s20 =	simm.s32 $0x4B00;
	s21 =	simm.s32 $0x3;
	s22 =	simm.s32 $0x4  }
0x8: {  	s23 =	simm.s32 $0x0;
	s7 =	sand.u32 $0x1, s4;
	s30 =	sshll.u32 s1, $0x1  }
0x9: {  	[smem:$0x7FF] =	sst s3;
	s4 =	sor.u32 s7, s30;
	s8 =	ssub.s32 $0x2, s7  }
0xa: {  	s5 =	sadd.s32 $0xC00, s6;
	s4 =	smul.u32 $0x19000, s4;
	s9 =	sshrl.u32 s8, $0x1  }
0xb: {  	s6 =	sadd.s32 $0xE00, s6;
	_ =	strace $0x80000047;
	s13 =	ssub.s32 s8, s9  }
0xc: {  	s10 =	sshrl.u32 s4, $0x3;
	s7 =	sadd.s32 $0x1900, s4;
	s11 =	sadd.s32 $0x3200, s4  }
0xd: {  	s12 =	sadd.s32 $0x4B00, s4;
	s13 =	smax.u32 s13, $0x1;
	s31 =	sshrl.u32 s7, $0x3  }
0xe: {  	s8 =	sadd.s32 s2, s10;
	s10 =	sadd.s32 $0x17700, s4;
	s9 =	sadd.s32 s2, s31  }
.LBB2_1:
0xf: {  	[tilespmem:s14], [sflag:$0x5] =	stream.linear.gather [hbm4b:s5+s3], $0x80, $0x38;
	[tilespmem:$0x6480] =	vst v63  }
0x10: {  	_ =	swait.ge [sflag:s15], $0x80  }
0x11: {  	[sflag:s15] =	ssyncset.done $0x0  }
0x12: {  	[sflag:s15] =	ssyncadd.s32 $0xFFFFFF80  }
0x13: {  	[tilespmem:s3], [sflag:$0x1] =	stream.linear.gather [hbm4b:s8+s3], $0x1900, $0x38;
	[tilespmem:$0x6480] =	vst v63  }
0x14: {  	s24 =	simm.s32 $0x0  }
0x15: {  	[tilespmem:s16], [sflag:$0x2] =	stream.linear.gather [hbm4b:s9+s3], $0x1900, $0x38;
	[tilespmem:$0x6480] =	vst v63  }
.LBB2_2:
0x16: {  	_ =	swait.ge [sflag:s17], $0x1900  }
0x17: {  	p0 =	seq.s32 s24, $0x0;
	[sflag:s17] =	ssyncset.done $0x0  }
0x18: {  	s25 =	simm.s32 @!p0 $0x3;
	[sflag:s17] =	ssyncadd.s32 $0xFFFFE700  }
0x19: {  	_ =	swait.ge @!p0 [sflag:s25], $0x1900  }
0x1a: {  	[sflag:s25] =	ssyncset.done @!p0 $0x0  }
0x1b: {  	s30 =	simm.s32 $0x20;
	[sflag:s25] =	ssyncadd.s32 @!p0 $0xFFFFE700  }
0x1c: {  	v0 =	vld [tilespmem:s30+$0x10];
	_ =	sdelay $0x1  }
0x1d: {  	v2 =	vld [tilespmem:s30+$0xFFFFFFE0]  }
0x1e: {  	v3 =	vld [tilespmem:s30+$0xFFFFFFF0]  }
0x1f: {  	s31 =	simm.s32 $0x60;
	v4 =	vld [tilespmem:s30+$0x0]  }
0x20: {  	v7 =	vld [tilespmem:s31+$0x10]  }
0x21: {  	v1 =	vld [tilespmem:s31+$0xFFFFFFF0]  }
0x22: {  	v6 =	vld [tilespmem:s31+$0xFFFFFFE0]  }
0x23: {  	v8 =	vld.idx.msk [tilespmem:v0+s14+$0x0], $0xffff  }
0x24: {  	v0 =	vld [tilespmem:s31+$0x0]  }
0x25: {  	v5 =	vld.idx.msk [tilespmem:v2+s14+$0x0], $0xffff  }
0x26: {  	v3 =	vld.idx.msk [tilespmem:v3+s14+$0x0], $0xffff  }
0x27: {  	s26 =	simm.s32 $0x3220;
	v4 =	vld.idx.msk [tilespmem:v4+s14+$0x0], $0xffff  }
0x28: {  	s28 =	simm.s32 $0xA0;
	s25 =	simm.s32 $0x4;
	v2 =	vld.idx.msk [tilespmem:v7+s14+$0x0], $0xffff;
	[tilespmem:s26+$0x10] =	vst v8  }
.LBB2_3:
0x29: {  	v7 =	vld [tilespmem:s28+$0x10];
	s25 =	sadd.s32 $0x4, s25  }
0x2a: {  	v8 =	vld [tilespmem:s28+$0xFFFFFFF0];
	p1 =	slt.u32 s25, $0x18C;
	[tilespmem:s26+$0xFFFFFFE0] =	vst v5  }
0x2b: {  	v9 =	vld [tilespmem:s28+$0x0];
	[tilespmem:s26+$0xFFFFFFF0] =	vst v3  }
0x2c: {  	v10 =	vld [tilespmem:s28+$0xFFFFFFE0];
	[tilespmem:s26+$0x0] =	vst v4  }
.Ltmp0:
0x2d: {  	s26 =	sadd.s32 $0x40, s26;
	v5 =	vld.idx.msk [tilespmem:v6+s14+$0x0], $0xffff;
	(pc) =	sbr.rel @p1 .LBB2_3-.Ltmp0, $4  }
0x2e: {  	v3 =	vld.idx.msk [tilespmem:v1+s14+$0x0], $0xffff;
	[tilespmem:s26+$0x10] =	vst v2  }
0x2f: {  	v4 =	vld.idx.msk [tilespmem:v0+s14+$0x0], $0xffff;
	v1 =	vmov v8  }
0x30: {  	v0 =	vmov v9  }
0x31: {  	s28 =	sadd.s32 $0x40, s28;
	v2 =	vld.idx.msk [tilespmem:v7+s14+$0x0], $0xffff;
	v6 =	vmov v10  }
0x32: {  	_ =	sdelay $0x3  }
0x33: {  	v6 =	vld.idx.msk [tilespmem:v6+s14+$0x0], $0xffff  }
0x34: {  	v1 =	vld.idx.msk [tilespmem:v1+s14+$0x0], $0xffff  }
0x35: {  	[tilespmem:s26+$0xFFFFFFE0] =	vst v5;
	s25 =	smul.u32 $0x3200, s24;
	v0 =	vld.idx.msk [tilespmem:v0+s14+$0x0], $0xffff  }
0x36: {  	s31 =	sadd.s32 $0x40, s26;
	[tilespmem:s26+$0xFFFFFFF0] =	vst v3  }
0x37: {  	s28 =	sadd.s32 s25, s11;
	[tilespmem:s31+$0x10] =	vst v2  }
0x38: {  	s29 =	smov.u32 s10;
	p1 =	slt.s32 s28, s10;
	[tilespmem:s31+$0xFFFFFFE0] =	vst v6  }
0x39: {  	s29 =	smov.u32 @p1 s28;
	[tilespmem:s31+$0xFFFFFFF0] =	vst v1  }
0x3a: {  	s28 =	sshrl.u32 s29, $0x3;
	[tilespmem:s31+$0x0] =	vst v0;
	s31 =	sadd.s32 s4, s25  }
0x3b: {  	[tilespmem:s26+$0x0] =	vst v4;
	s30 =	sadd.s32 s2, s28;
	s26 =	sshrl.u32 s31, $0x3  }
0x3c: {  	[tilespmem:s3], [sflag:$0x1] =	stream.linear.gather [hbm4b:s30+s3], $0x1900, $0x38;
	[tilespmem:$0x6480] =	vst v63  }
0x3d: {  	s26 =	sadd.s32 s6, s26  }
0x3e: {  	[hbm4b:s26+s3] =	stream.linear.scatter [tilespmem:s18], [sflag:$0x3], $0x1900, $0x38;
	[tilespmem:$0x6480] =	vst v63  }
0x3f: {  	_ =	swait.ge [sflag:s19], $0x1900  }
0x40: {  	[sflag:s19] =	ssyncset.done $0x0  }
0x41: {  	s26 =	simm.s32 @!p0 $0x4;
	[sflag:s19] =	ssyncadd.s32 $0xFFFFE700  }
0x42: {  	_ =	swait.ge @!p0 [sflag:s26], $0x1900  }
0x43: {  	[sflag:s26] =	ssyncset.done @!p0 $0x0  }
0x44: {  	s30 =	simm.s32 $0x1930;
	[sflag:s26] =	ssyncadd.s32 @!p0 $0xFFFFE700  }
0x45: {  	v0 =	vld [tilespmem:s30+$0x0];
	_ =	sdelay $0x1  }
0x46: {  	v2 =	vld [tilespmem:s30+$0xFFFFFFD0]  }
0x47: {  	v3 =	vld [tilespmem:s30+$0xFFFFFFE0]  }
0x48: {  	s31 =	simm.s32 $0x1970;
	v4 =	vld [tilespmem:s30+$0xFFFFFFF0]  }
0x49: {  	v7 =	vld [tilespmem:s31+$0x0]  }
0x4a: {  	v1 =	vld [tilespmem:s31+$0xFFFFFFE0]  }
0x4b: {  	v6 =	vld [tilespmem:s31+$0xFFFFFFD0]  }
0x4c: {  	v8 =	vld.idx.msk [tilespmem:v0+s14+$0x0], $0xffff  }
0x4d: {  	v0 =	vld [tilespmem:s31+$0xFFFFFFF0]  }
0x4e: {  	v5 =	vld.idx.msk [tilespmem:v2+s14+$0x0], $0xffff  }
0x4f: {  	v3 =	vld.idx.msk [tilespmem:v3+s14+$0x0], $0xffff  }
0x50: {  	s26 =	simm.s32 $0x4B30;
	v4 =	vld.idx.msk [tilespmem:v4+s14+$0x0], $0xffff  }
0x51: {  	s29 =	simm.s32 $0x19B0;
	s28 =	simm.s32 $0x4;
	v2 =	vld.idx.msk [tilespmem:v7+s14+$0x0], $0xffff;
	[tilespmem:s26+$0x0] =	vst v8  }
.LBB2_5:
0x52: {  	v7 =	vld [tilespmem:s29+$0x0];
	s28 =	sadd.s32 $0x4, s28  }
0x53: {  	v8 =	vld [tilespmem:s29+$0xFFFFFFE0];
	p0 =	slt.u32 s28, $0x18C;
	[tilespmem:s26+$0xFFFFFFD0] =	vst v5  }
0x54: {  	v9 =	vld [tilespmem:s29+$0xFFFFFFF0];
	[tilespmem:s26+$0xFFFFFFE0] =	vst v3  }
0x55: {  	v10 =	vld [tilespmem:s29+$0xFFFFFFD0];
	[tilespmem:s26+$0xFFFFFFF0] =	vst v4  }
.Ltmp1:
0x56: {  	s26 =	sadd.s32 $0x40, s26;
	v5 =	vld.idx.msk [tilespmem:v6+s14+$0x0], $0xffff;
	(pc) =	sbr.rel @p0 .LBB2_5-.Ltmp1, $4  }
0x57: {  	v3 =	vld.idx.msk [tilespmem:v1+s14+$0x0], $0xffff;
	[tilespmem:s26+$0x0] =	vst v2  }
0x58: {  	v4 =	vld.idx.msk [tilespmem:v0+s14+$0x0], $0xffff;
	v1 =	vmov v8  }
0x59: {  	v0 =	vmov v9  }
0x5a: {  	s29 =	sadd.s32 $0x40, s29;
	v2 =	vld.idx.msk [tilespmem:v7+s14+$0x0], $0xffff;
	v6 =	vmov v10  }
0x5b: {  	_ =	sdelay $0x3  }
0x5c: {  	v6 =	vld.idx.msk [tilespmem:v6+s14+$0x0], $0xffff  }
0x5d: {  	[tilespmem:s26+$0xFFFFFFD0] =	vst v5;
	v1 =	vld.idx.msk [tilespmem:v1+s14+$0x0], $0xffff  }
0x5e: {  	v0 =	vld.idx.msk [tilespmem:v0+s14+$0x0], $0xffff;
	[tilespmem:s26+$0xFFFFFFE0] =	vst v3  }
0x5f: {  	s31 =	sadd.s32 $0x40, s26;
	s28 =	sadd.s32 s25, s12;
	[tilespmem:s26+$0xFFFFFFF0] =	vst v4  }
0x60: {  	s29 =	smov.u32 s10;
	p0 =	slt.s32 s28, s10;
	[tilespmem:s31+$0x0] =	vst v2  }
0x61: {  	s24 =	sadd.s32 $0x1, s24;
	s29 =	smov.u32 @p0 s28;
	[tilespmem:s31+$0xFFFFFFD0] =	vst v6  }
0x62: {  	p0 =	sne.s32 s24, $0x8;
	s28 =	sshrl.u32 s29, $0x3;
	[tilespmem:s31+$0xFFFFFFE0] =	vst v1  }
.Ltmp2:
0x63: {  	s30 =	sadd.s32 s2, s28;
	[tilespmem:s31+$0xFFFFFFF0] =	vst v0;
	s31 =	sadd.s32 s25, s7;
	(pc) =	sbr.rel @p0 .LBB2_2-.Ltmp2, $4  }
0x64: {  	[tilespmem:s16], [sflag:$0x2] =	stream.linear.gather [hbm4b:s30+s3], $0x1900, $0x38;
	[tilespmem:$0x6480] =	vst v63  }
0x65: {  	s25 =	sshrl.u32 s31, $0x3  }
0x66: {  	s25 =	sadd.s32 s6, s25  }
0x67: {  	[hbm4b:s25+s3] =	stream.linear.scatter [tilespmem:s20], [sflag:$0x4], $0x1900, $0x38;
	[tilespmem:$0x6480] =	vst v63  }
0x68: {  	_ =	swait.ge [sflag:s17], $0x1900  }
0x69: {  	[sflag:s17] =	ssyncset.done $0x0  }
0x6a: {  	[sflag:s17] =	ssyncadd.s32 $0xFFFFE700  }
0x6b: {  	_ =	swait.ge [sflag:s21], $0x1900  }
0x6c: {  	[sflag:s21] =	ssyncset.done $0x0  }
0x6d: {  	s23 =	sadd.s32 $0x1, s23;
	[sflag:s21] =	ssyncadd.s32 $0xFFFFE700  }
0x6e: {  	p0 =	sne.s32 s23, s13;
	_ =	swait.ge [sflag:s19], $0x1900  }
.Ltmp3:
0x6f: {  	[sflag:s19] =	ssyncset.done $0x0;
	(pc) =	sbr.rel @p0 .LBB2_1-.Ltmp3, $4  }
0x70: {  	[sflag:s19] =	ssyncadd.s32 $0xFFFFE700  }
0x71: {  	_ =	swait.ge [sflag:s22], $0x1900  }
0x72: {  	[sflag:s22] =	ssyncset.done $0x0  }
0x73: {  	[sflag:s22] =	ssyncadd.s32 $0xFFFFE700  }
0x74: {  	_ =	sfence.sel $0x180000  }
0x75: {  	[bflag:$0x0] =	sbarrier.arrive $0xFFFF  }
0x76: {  	p0 =	sne.s32 s1, $0x0;
	_ =	strace $0x90000047  }
0x77: {  	s0 =	sadd.s32 @!p0 $0x100000, s0;
	[bflag:$0x2] =	sbarrier.arrive $0xFFFF  }
0x78: {  	[sflag:s0] =	ssyncadd.tile.s32 @!p0 $0x1;
	_ =	shalt  }
.Lfunc_end2:
_tile_overlayer_lowered:
.L_overlay_start_2:
0x79: {  	(tag) =	ssettag $0x2  }
0x7a: {  	s0 =	rddreg [dreg:$0x0];
	s2 =	stileid.u32  }
0x7b: {  	s1 =	rddreg [dreg:$0x1];
	p0 =	sne.s32 s2, $0x0  }
0x7c: {  	s3 =	rddreg [dreg:$0x2];
	[bflag:$0x3] =	sbarrier.arrive $0xFFFF;
	s2 =	simm.s32 @!p0 $0x1C05  }
0x7d: {  	[timem:s3], [sflag:s2] =	dma.local @!p0 [hbm:s0], s1  }
0x7e: {  	s0 =	simm.s32 @!p0 $0x5  }
0x7f: {  	_ =	swait.ge @!p0 [sflag:s0], s1  }
0x80: {  	s1 =	ssub.s32 @!p0 $0x0, s1;
	[sflag:s0] =	ssyncset.done @!p0 $0x0  }
0x81: {  	[sflag:s0] =	ssyncadd.s32 @!p0 s1  }
0x82: {  	[bflag:$0x3] =	sbarrier.arrive $0xFFFF  }
0x83: {  	_ =	shalt  }

</sc_bundles>
